<compile_context>
chip_gen: v7x
topology: tpu7x:2x2x1
jax: 0.10.2.dev20260603
libtpu: 0.0.44.dev20260713+nightly
codegen_flags: <defaults>
</compile_context>

<pallas_src>
import functools

import jax
import jax.numpy as jnp
from jax import lax
from jax.experimental import pallas as pl
from jax.experimental.pallas import tpu as pltpu
from jax.experimental.pallas import tpu_sc as plsc

B = 8192
K = 8192
D_IN = 512
D_E = 32

TB = 256
NT = B // TB

DB = 1024
ND = B // DB


def _encode_dist_body(x_ref, w1_ref, b1_ref, w2_ref, b2_ref, cwt_ref,
                      idx_ref, dist_ref):
    x = x_ref[...]
    h = jnp.maximum(jnp.dot(x, w1_ref[...]) + b1_ref[...], 0.0)
    e = jnp.maximum(jnp.dot(h, w2_ref[...]) + b2_ref[...], 0.0)
    cwt = cwt_ref[...]
    c2 = jnp.sum(cwt * cwt, axis=0, keepdims=True)
    a2 = jnp.sum(e * e, axis=1, keepdims=True)
    d2 = jnp.maximum(a2 + c2 - jnp.dot(e + e, cwt), 0.0)
    mn2 = jnp.min(d2, axis=1, keepdims=True)
    s = jnp.sqrt(mn2)
    sb = s.view(jnp.int32)
    s_up = (sb + 1).view(jnp.float32)
    cb = (s * s_up).view(jnp.int32)
    u = mn2
    for j in range(-3, 3):
        xj = (cb + j).view(jnp.float32)
        ok = jnp.sqrt(xj) == s
        u = jnp.where(ok, jnp.maximum(u, xj), u)
    iota = lax.broadcasted_iota(jnp.int32, d2.shape, 1)
    idx = jnp.min(jnp.where(d2 <= u, iota, K), axis=1)
    idx_ref[...] = idx.reshape(1, 1, TB)
    dist_ref[...] = s.reshape(1, 1, TB)


def _decode_body(q_ref, w1_ref, b1_ref, w2_ref, b2_ref, out_ref, qout_ref):
    q = q_ref[...][:, :D_E]
    qout_ref[...] = q
    d = jnp.maximum(jnp.dot(q, w1_ref[...]) + b1_ref[...], 0.0)
    out_ref[...] = jnp.dot(d, w2_ref[...]) + b2_ref[...]


_SC_CORES = 2
_SC_SUBCORES = 16
_NW = _SC_CORES * _SC_SUBCORES
_BPW = B // _NW
D_PAD = 128


_NCHUNK = 8
_CROWS = _BPW // _NCHUNK


@functools.cache
def _make_sc_gather():
    @functools.partial(
        pl.kernel,
        mesh=plsc.VectorSubcoreMesh(core_axis_name="c", subcore_axis_name="s"),
        out_type=jax.ShapeDtypeStruct((B, D_PAD), jnp.float32),
        scratch_types=[
            pltpu.VMEM((_BPW,), jnp.int32),
            pltpu.VMEM((_BPW, D_PAD), jnp.float32),
            pltpu.VMEM_SHARED((K, D_PAD), jnp.float32),
            pltpu.SemaphoreType.DMA,
        ],
    )
    def _sc_gather(table_hbm, idx_hbm, out_hbm, idx_v, rows_v, cw_sh, sem):
        sid = lax.axis_index("s")
        wid = sid * _SC_CORES + lax.axis_index("c")
        base = wid * _BPW
        pltpu.sync_copy(idx_hbm.at[pl.ds(base, _BPW)], idx_v)
        @pl.when(sid == 0)
        def _():
            pltpu.sync_copy(table_hbm, cw_sh)
        plsc.subcore_barrier()
        copies = [
            pltpu.async_copy(
                cw_sh.at[idx_v.at[pl.ds(t * _CROWS, _CROWS)]],
                rows_v.at[pl.ds(t * _CROWS, _CROWS)],
                sem,
            )
            for t in range(_NCHUNK)
        ]
        for c in copies:
            c.wait()
        pltpu.sync_copy(rows_v, out_hbm.at[pl.ds(base, _BPW)])

    return _sc_gather


def kernel(x, W1e, b1e, W2e, b2e, codewords, W1d, b1d, W2d, b2d):
    idx3, dist3 = pl.pallas_call(
        _encode_dist_body,
        grid=(NT,),
        in_specs=[
            pl.BlockSpec((TB, D_IN), lambda i: (i, 0)),
            pl.BlockSpec((D_IN, D_E), lambda i: (0, 0)),
            pl.BlockSpec((1, D_E), lambda i: (0, 0)),
            pl.BlockSpec((D_E, D_E), lambda i: (0, 0)),
            pl.BlockSpec((1, D_E), lambda i: (0, 0)),
            pl.BlockSpec((D_E, K), lambda i: (0, 0)),
        ],
        out_specs=[
            pl.BlockSpec((1, 1, TB), lambda i: (i, 0, 0)),
            pl.BlockSpec((1, 1, TB), lambda i: (i, 0, 0)),
        ],
        out_shape=[
            jax.ShapeDtypeStruct((NT, 1, TB), jnp.int32),
            jax.ShapeDtypeStruct((NT, 1, TB), jnp.float32),
        ],
    )(x, W1e.T, b1e.reshape(1, D_E), W2e.T, b2e.reshape(1, D_E),
      codewords.T)

    quantized_indices = idx3.reshape(B)
    quantized_distances = dist3.reshape(B)

    cw_pad = jnp.pad(codewords, ((0, 0), (0, D_PAD - D_E)))
    rows128 = _make_sc_gather()(cw_pad, quantized_indices)

    reconstructed, quantized = pl.pallas_call(
        _decode_body,
        grid=(ND,),
        in_specs=[
            pl.BlockSpec((DB, D_PAD), lambda i: (i, 0)),
            pl.BlockSpec((D_E, D_E), lambda i: (0, 0)),
            pl.BlockSpec((1, D_E), lambda i: (0, 0)),
            pl.BlockSpec((D_E, D_IN), lambda i: (0, 0)),
            pl.BlockSpec((1, D_IN), lambda i: (0, 0)),
        ],
        out_specs=[
            pl.BlockSpec((DB, D_IN), lambda i: (i, 0)),
            pl.BlockSpec((DB, D_E), lambda i: (i, 0)),
        ],
        out_shape=[
            jax.ShapeDtypeStruct((B, D_IN), jnp.float32),
            jax.ShapeDtypeStruct((B, D_E), jnp.float32),
        ],
    )(rows128, W1d.T, b1d.reshape(1, D_E), W2d.T,
      b2d.reshape(1, D_IN))

    return (quantized_indices, quantized_distances, reconstructed, quantized)

# --- scband reference (transcript-rebuilt; emitter-appended) ---
"""Pipeline reference for scband-vqvae-53128745452293 (READ-ONLY COPY).

The authoritative reference and input builder live on the scoring server;
editing this copy changes nothing except your own understanding.
"""

import jax, jax.numpy as jnp
import numpy as np

INPUT_DIM = 512
ENC_DIM = 32
NUM_CODEWORDS = 8192
BATCH = 8192


def setup_inputs(seed: int = 0) -> dict:
    key = jax.random.key(seed)
    ks = jax.random.split(key, 12)
    x = jax.random.normal(ks[0], (BATCH, INPUT_DIM), dtype=jnp.float32)
    # Encoder params (torch Linear: W [out, in], b [out])
    W1e = jax.random.normal(ks[1], (ENC_DIM, INPUT_DIM), dtype=jnp.float32) * (1.0 / np.sqrt(INPUT_DIM))
    b1e = jnp.zeros((ENC_DIM,), dtype=jnp.float32)
    W2e = jax.random.normal(ks[2], (ENC_DIM, ENC_DIM), dtype=jnp.float32) * (1.0 / np.sqrt(ENC_DIM))
    b2e = jnp.zeros((ENC_DIM,), dtype=jnp.float32)
    # Codebook (nn.Parameter(torch.randn(K, d)))
    codewords = jax.random.normal(ks[3], (NUM_CODEWORDS, ENC_DIM), dtype=jnp.float32)
    # Decoder params
    W1d = jax.random.normal(ks[4], (ENC_DIM, ENC_DIM), dtype=jnp.float32) * (1.0 / np.sqrt(ENC_DIM))
    b1d = jnp.zeros((ENC_DIM,), dtype=jnp.float32)
    W2d = jax.random.normal(ks[5], (INPUT_DIM, ENC_DIM), dtype=jnp.float32) * (1.0 / np.sqrt(ENC_DIM))
    b2d = jnp.zeros((INPUT_DIM,), dtype=jnp.float32)
    return {"x": x, "W1e": W1e, "b1e": b1e, "W2e": W2e, "b2e": b2e,
            "codewords": codewords, "W1d": W1d, "b1d": b1d, "W2d": W2d, "b2d": b2d}


def _cdist(a, b):
    # Euclidean pairwise distance, matches torch.cdist p=2
    a2 = jnp.sum(a * a, axis=1, keepdims=True)          # [N, 1]
    b2 = jnp.sum(b * b, axis=1, keepdims=True).T        # [1, K]
    d2 = a2 + b2 - 2.0 * (a @ b.T)
    return jnp.sqrt(jnp.maximum(d2, 0.0))


def reference(x, W1e, b1e, W2e, b2e, codewords, W1d, b1d, W2d, b2d):
    # Encoder
    h = jax.nn.relu(x @ W1e.T + b1e)
    encoded = jax.nn.relu(h @ W2e.T + b2e)
    # VQ layer
    flat = encoded.reshape(-1, codewords.shape[1])
    distances = _cdist(flat, codewords)                  # [N, K]
    quantized_indices = jnp.argmin(distances, axis=1)    # [N]
    quantized_distances = jnp.take_along_axis(
        distances, quantized_indices[:, None], axis=1)[:, 0]
    quantized = jnp.take(codewords, quantized_indices, axis=0)  # gather
    # Decoder
    d = jax.nn.relu(quantized @ W1d.T + b1d)
    reconstructed = d @ W2d.T + b2d
    return (quantized_indices, quantized_distances, reconstructed, quantized)

if __name__ == "__main__":
    import jax
    _d = setup_inputs()
    print(jax.jit(kernel)(*tuple(_d.values())))

</pallas_src>

<mosaic_0001>
#map = affine_map<(d0, d1) -> (0, 0)>
#map1 = affine_map<(d0, d1) -> (0)>
module attributes {stable_mosaic.version = 14 : i64} {
  func.func @_sc_gather(%arg0: i32, %arg1: i32, %arg2: memref<8192x128xf32, #tpu.memory_space<hbm>>, %arg3: memref<8192xi32, #tpu.memory_space<hbm>>, %arg4: memref<8192x128xf32, #tpu.memory_space<hbm>>, %arg5: memref<256xi32, #tpu.memory_space<vmem>>, %arg6: memref<256x128xf32, #tpu.memory_space<vmem>>, %arg7: memref<8192x128xf32, #tpu.memory_space<vmem_shared>>, %arg8: memref<!tpu.dma_semaphore, #tpu.memory_space<semaphore_mem>>) attributes {dimension_semantics = [#tpu.dimension_semantics<core_parallel>, #tpu.dimension_semantics<subcore_parallel>], iteration_bounds = array<i64: 2, 16>, scalar_prefetch = 0 : i64, scratch_operands = 4 : i64, tpu.core_type = #tpu.core_type<sc_vector_subcore>, window_params = [{transform_indices = #map}, {transform_indices = #map1}, {transform_indices = #map}]} {
    %mul3A = arith.constant 2 : i32
    %mul3A_0 = arith.muli %arg1, %mul3A : i32
    %add3A = arith.addi %mul3A_0, %arg0 : i32
    %mul3A_1 = arith.constant 256 : i32
    %mul3A_2 = arith.muli %add3A, %mul3A_1 : i32
    "tpu.region"() ({
      %run_scoped3A = tpu.sem_alloc : memref<!tpu.dma_semaphore, #tpu.memory_space<semaphore_mem>>
      %dma_start3A_131 = tpu.memref_slice %arg3[%mul3A_2] : memref<8192xi32, #tpu.memory_space<hbm>> -> memref<256xi32, #tpu.memory_space<hbm>>
      %dma_start3A_132 = tpu.memref_slice %arg3[%mul3A_2] : memref<8192xi32, #tpu.memory_space<hbm>> -> memref<256xi32, #tpu.memory_space<hbm>>
      tpu.enqueue_dma source(%dma_start3A_132 : memref<256xi32, #tpu.memory_space<hbm>>) target(%arg5 : memref<256xi32, #tpu.memory_space<vmem>>) target_semaphore(%run_scoped3A : memref<!tpu.dma_semaphore, #tpu.memory_space<semaphore_mem>>)
      %dma_wait3A_133 = tpu.memref_slice %arg3[%mul3A_2] : memref<8192xi32, #tpu.memory_space<hbm>> -> memref<256xi32, #tpu.memory_space<hbm>>
      %dma_wait3A_134 = tpu.memref_slice %arg3[%mul3A_2] : memref<8192xi32, #tpu.memory_space<hbm>> -> memref<256xi32, #tpu.memory_space<hbm>>
      tpu.wait_dma2 semaphore(%run_scoped3A : memref<!tpu.dma_semaphore, #tpu.memory_space<semaphore_mem>>) src(%dma_wait3A_134 : memref<256xi32, #tpu.memory_space<hbm>>) dst(%arg5 : memref<256xi32, #tpu.memory_space<vmem>>)
      tpu.yield
    }) : () -> ()
    %eq3A = arith.constant 0 : i32
    %eq3A_3 = arith.cmpi eq, %arg1, %eq3A : i32
    %convert_element_type3A = arith.extui %eq3A_3 : i1 to i32
    %cond3A = arith.constant 0 : i32
    %cond3A_4 = arith.cmpi ne, %convert_element_type3A, %cond3A : i32
    scf.if %cond3A_4 {
      "tpu.region"() ({
        %run_scoped3A = tpu.sem_alloc : memref<!tpu.dma_semaphore, #tpu.memory_space<semaphore_mem>>
        tpu.enqueue_dma source(%arg2 : memref<8192x128xf32, #tpu.memory_space<hbm>>) target(%arg7 : memref<8192x128xf32, #tpu.memory_space<vmem_shared>>) target_semaphore(%run_scoped3A : memref<!tpu.dma_semaphore, #tpu.memory_space<semaphore_mem>>)
        tpu.wait_dma2 semaphore(%run_scoped3A : memref<!tpu.dma_semaphore, #tpu.memory_space<semaphore_mem>>) src(%arg2 : memref<8192x128xf32, #tpu.memory_space<hbm>>) dst(%arg7 : memref<8192x128xf32, #tpu.memory_space<vmem_shared>>)
        tpu.yield
      }) : () -> ()
    } else {
    }
    %barrier3A = arith.constant 0 : index
    tpu.barrier barrier_id(%barrier3A)
    %dma_start3A = arith.constant 0 : i32
    %dma_start3A_5 = arith.constant 0 : i32
    %dma_start3A_6 = tpu.memref_slice %arg6[%dma_start3A, %dma_start3A_5] : memref<256x128xf32, #tpu.memory_space<vmem>> -> memref<32x128xf32, #tpu.memory_space<vmem>>
    %dma_start3A_7 = arith.constant 0 : i32
    %dma_start3A_8 = tpu.memref_slice %arg5[%dma_start3A_7] : memref<256xi32, #tpu.memory_space<vmem>> -> memref<32xi32, #tpu.memory_space<vmem>>
    %dma_start3A_9 = arith.constant 0 : i32
    %dma_start3A_10 = arith.constant 0 : i32
    %dma_start3A_11 = tpu.memref_slice %arg7[%dma_start3A_9, %dma_start3A_10] : memref<8192x128xf32, #tpu.memory_space<vmem_shared>> -> memref<8192x128xf32, #tpu.memory_space<vmem_shared>>
    tpu.enqueue_indirect_dma source(%dma_start3A_11 : memref<8192x128xf32, #tpu.memory_space<vmem_shared>>) target(%dma_start3A_6 : memref<32x128xf32, #tpu.memory_space<vmem>>) offsets(%dma_start3A_8 : memref<32xi32, #tpu.memory_space<vmem>>) semaphore(%arg8 : memref<!tpu.dma_semaphore, #tpu.memory_space<semaphore_mem>>)
    %dma_start3A_12 = arith.constant 32 : i32
    %dma_start3A_13 = arith.constant 0 : i32
    %dma_start3A_14 = tpu.memref_slice %arg6[%dma_start3A_12, %dma_start3A_13] : memref<256x128xf32, #tpu.memory_space<vmem>> -> memref<32x128xf32, #tpu.memory_space<vmem>>
    %dma_start3A_15 = arith.constant 32 : i32
    %dma_start3A_16 = tpu.memref_slice %arg5[%dma_start3A_15] : memref<256xi32, #tpu.memory_space<vmem>> -> memref<32xi32, #tpu.memory_space<vmem>>
    %dma_start3A_17 = arith.constant 0 : i32
    %dma_start3A_18 = arith.constant 0 : i32
    %dma_start3A_19 = tpu.memref_slice %arg7[%dma_start3A_17, %dma_start3A_18] : memref<8192x128xf32, #tpu.memory_space<vmem_shared>> -> memref<8192x128xf32, #tpu.memory_space<vmem_shared>>
    tpu.enqueue_indirect_dma source(%dma_start3A_19 : memref<8192x128xf32, #tpu.memory_space<vmem_shared>>) target(%dma_start3A_14 : memref<32x128xf32, #tpu.memory_space<vmem>>) offsets(%dma_start3A_16 : memref<32xi32, #tpu.memory_space<vmem>>) semaphore(%arg8 : memref<!tpu.dma_semaphore, #tpu.memory_space<semaphore_mem>>)
    %dma_start3A_20 = arith.constant 64 : i32
    %dma_start3A_21 = arith.constant 0 : i32
    %dma_start3A_22 = tpu.memref_slice %arg6[%dma_start3A_20, %dma_start3A_21] : memref<256x128xf32, #tpu.memory_space<vmem>> -> memref<32x128xf32, #tpu.memory_space<vmem>>
    %dma_start3A_23 = arith.constant 64 : i32
    %dma_start3A_24 = tpu.memref_slice %arg5[%dma_start3A_23] : memref<256xi32, #tpu.memory_space<vmem>> -> memref<32xi32, #tpu.memory_space<vmem>>
    %dma_start3A_25 = arith.constant 0 : i32
    %dma_start3A_26 = arith.constant 0 : i32
    %dma_start3A_27 = tpu.memref_slice %arg7[%dma_start3A_25, %dma_start3A_26] : memref<8192x128xf32, #tpu.memory_space<vmem_shared>> -> memref<8192x128xf32, #tpu.memory_space<vmem_shared>>
    tpu.enqueue_indirect_dma source(%dma_start3A_27 : memref<8192x128xf32, #tpu.memory_space<vmem_shared>>) target(%dma_start3A_22 : memref<32x128xf32, #tpu.memory_space<vmem>>) offsets(%dma_start3A_24 : memref<32xi32, #tpu.memory_space<vmem>>) semaphore(%arg8 : memref<!tpu.dma_semaphore, #tpu.memory_space<semaphore_mem>>)
    %dma_start3A_28 = arith.constant 96 : i32
    %dma_start3A_29 = arith.constant 0 : i32
    %dma_start3A_30 = tpu.memref_slice %arg6[%dma_start3A_28, %dma_start3A_29] : memref<256x128xf32, #tpu.memory_space<vmem>> -> memref<32x128xf32, #tpu.memory_space<vmem>>
    %dma_start3A_31 = arith.constant 96 : i32
    %dma_start3A_32 = tpu.memref_slice %arg5[%dma_start3A_31] : memref<256xi32, #tpu.memory_space<vmem>> -> memref<32xi32, #tpu.memory_space<vmem>>
    %dma_start3A_33 = arith.constant 0 : i32
    %dma_start3A_34 = arith.constant 0 : i32
    %dma_start3A_35 = tpu.memref_slice %arg7[%dma_start3A_33, %dma_start3A_34] : memref<8192x128xf32, #tpu.memory_space<vmem_shared>> -> memref<8192x128xf32, #tpu.memory_space<vmem_shared>>
    tpu.enqueue_indirect_dma source(%dma_start3A_35 : memref<8192x128xf32, #tpu.memory_space<vmem_shared>>) target(%dma_start3A_30 : memref<32x128xf32, #tpu.memory_space<vmem>>) offsets(%dma_start3A_32 : memref<32xi32, #tpu.memory_space<vmem>>) semaphore(%arg8 : memref<!tpu.dma_semaphore, #tpu.memory_space<semaphore_mem>>)
    %dma_start3A_36 = arith.constant 128 : i32
    %dma_start3A_37 = arith.constant 0 : i32
    %dma_start3A_38 = tpu.memref_slice %arg6[%dma_start3A_36, %dma_start3A_37] : memref<256x128xf32, #tpu.memory_space<vmem>> -> memref<32x128xf32, #tpu.memory_space<vmem>>
    %dma_start3A_39 = arith.constant 128 : i32
    %dma_start3A_40 = tpu.memref_slice %arg5[%dma_start3A_39] : memref<256xi32, #tpu.memory_space<vmem>> -> memref<32xi32, #tpu.memory_space<vmem>>
    %dma_start3A_41 = arith.constant 0 : i32
    %dma_start3A_42 = arith.constant 0 : i32
    %dma_start3A_43 = tpu.memref_slice %arg7[%dma_start3A_41, %dma_start3A_42] : memref<8192x128xf32, #tpu.memory_space<vmem_shared>> -> memref<8192x128xf32, #tpu.memory_space<vmem_shared>>
    tpu.enqueue_indirect_dma source(%dma_start3A_43 : memref<8192x128xf32, #tpu.memory_space<vmem_shared>>) target(%dma_start3A_38 : memref<32x128xf32, #tpu.memory_space<vmem>>) offsets(%dma_start3A_40 : memref<32xi32, #tpu.memory_space<vmem>>) semaphore(%arg8 : memref<!tpu.dma_semaphore, #tpu.memory_space<semaphore_mem>>)
    %dma_start3A_44 = arith.constant 160 : i32
    %dma_start3A_45 = arith.constant 0 : i32
    %dma_start3A_46 = tpu.memref_slice %arg6[%dma_start3A_44, %dma_start3A_45] : memref<256x128xf32, #tpu.memory_space<vmem>> -> memref<32x128xf32, #tpu.memory_space<vmem>>
    %dma_start3A_47 = arith.constant 160 : i32
    %dma_start3A_48 = tpu.memref_slice %arg5[%dma_start3A_47] : memref<256xi32, #tpu.memory_space<vmem>> -> memref<32xi32, #tpu.memory_space<vmem>>
    %dma_start3A_49 = arith.constant 0 : i32
    %dma_start3A_50 = arith.constant 0 : i32
    %dma_start3A_51 = tpu.memref_slice %arg7[%dma_start3A_49, %dma_start3A_50] : memref<8192x128xf32, #tpu.memory_space<vmem_shared>> -> memref<8192x128xf32, #tpu.memory_space<vmem_shared>>
    tpu.enqueue_indirect_dma source(%dma_start3A_51 : memref<8192x128xf32, #tpu.memory_space<vmem_shared>>) target(%dma_start3A_46 : memref<32x128xf32, #tpu.memory_space<vmem>>) offsets(%dma_start3A_48 : memref<32xi32, #tpu.memory_space<vmem>>) semaphore(%arg8 : memref<!tpu.dma_semaphore, #tpu.memory_space<semaphore_mem>>)
    %dma_start3A_52 = arith.constant 192 : i32
    %dma_start3A_53 = arith.constant 0 : i32
    %dma_start3A_54 = tpu.memref_slice %arg6[%dma_start3A_52, %dma_start3A_53] : memref<256x128xf32, #tpu.memory_space<vmem>> -> memref<32x128xf32, #tpu.memory_space<vmem>>
    %dma_start3A_55 = arith.constant 192 : i32
    %dma_start3A_56 = tpu.memref_slice %arg5[%dma_start3A_55] : memref<256xi32, #tpu.memory_space<vmem>> -> memref<32xi32, #tpu.memory_space<vmem>>
    %dma_start3A_57 = arith.constant 0 : i32
    %dma_start3A_58 = arith.constant 0 : i32
    %dma_start3A_59 = tpu.memref_slice %arg7[%dma_start3A_57, %dma_start3A_58] : memref<8192x128xf32, #tpu.memory_space<vmem_shared>> -> memref<8192x128xf32, #tpu.memory_space<vmem_shared>>
    tpu.enqueue_indirect_dma source(%dma_start3A_59 : memref<8192x128xf32, #tpu.memory_space<vmem_shared>>) target(%dma_start3A_54 : memref<32x128xf32, #tpu.memory_space<vmem>>) offsets(%dma_start3A_56 : memref<32xi32, #tpu.memory_space<vmem>>) semaphore(%arg8 : memref<!tpu.dma_semaphore, #tpu.memory_space<semaphore_mem>>)
    %dma_start3A_60 = arith.constant 224 : i32
    %dma_start3A_61 = arith.constant 0 : i32
    %dma_start3A_62 = tpu.memref_slice %arg6[%dma_start3A_60, %dma_start3A_61] : memref<256x128xf32, #tpu.memory_space<vmem>> -> memref<32x128xf32, #tpu.memory_space<vmem>>
    %dma_start3A_63 = arith.constant 224 : i32
    %dma_start3A_64 = tpu.memref_slice %arg5[%dma_start3A_63] : memref<256xi32, #tpu.memory_space<vmem>> -> memref<32xi32, #tpu.memory_space<vmem>>
    %dma_start3A_65 = arith.constant 0 : i32
    %dma_start3A_66 = arith.constant 0 : i32
    %dma_start3A_67 = tpu.memref_slice %arg7[%dma_start3A_65, %dma_start3A_66] : memref<8192x128xf32, #tpu.memory_space<vmem_shared>> -> memref<8192x128xf32, #tpu.memory_space<vmem_shared>>
    tpu.enqueue_indirect_dma source(%dma_start3A_67 : memref<8192x128xf32, #tpu.memory_space<vmem_shared>>) target(%dma_start3A_62 : memref<32x128xf32, #tpu.memory_space<vmem>>) offsets(%dma_start3A_64 : memref<32xi32, #tpu.memory_space<vmem>>) semaphore(%arg8 : memref<!tpu.dma_semaphore, #tpu.memory_space<semaphore_mem>>)
    %dma_wait3A = arith.constant 0 : i32
    %dma_wait3A_68 = arith.constant 0 : i32
    %dma_wait3A_69 = tpu.memref_slice %arg6[%dma_wait3A, %dma_wait3A_68] : memref<256x128xf32, #tpu.memory_space<vmem>> -> memref<32x128xf32, #tpu.memory_space<vmem>>
    %dma_wait3A_70 = arith.constant 0 : i32
    %dma_wait3A_71 = tpu.memref_slice %arg5[%dma_wait3A_70] : memref<256xi32, #tpu.memory_space<vmem>> -> memref<32xi32, #tpu.memory_space<vmem>>
    %dma_wait3A_72 = arith.constant 0 : i32
    %dma_wait3A_73 = arith.constant 0 : i32
    %dma_wait3A_74 = tpu.memref_slice %arg7[%dma_wait3A_72, %dma_wait3A_73] : memref<8192x128xf32, #tpu.memory_space<vmem_shared>> -> memref<8192x128xf32, #tpu.memory_space<vmem_shared>>
    tpu.wait_indirect_dma semaphore(%arg8 : memref<!tpu.dma_semaphore, #tpu.memory_space<semaphore_mem>>) src(%dma_wait3A_74 : memref<8192x128xf32, #tpu.memory_space<vmem_shared>>) dst(%dma_wait3A_69 : memref<32x128xf32, #tpu.memory_space<vmem>>)
    %dma_wait3A_75 = arith.constant 32 : i32
    %dma_wait3A_76 = arith.constant 0 : i32
    %dma_wait3A_77 = tpu.memref_slice %arg6[%dma_wait3A_75, %dma_wait3A_76] : memref<256x128xf32, #tpu.memory_space<vmem>> -> memref<32x128xf32, #tpu.memory_space<vmem>>
    %dma_wait3A_78 = arith.constant 32 : i32
    %dma_wait3A_79 = tpu.memref_slice %arg5[%dma_wait3A_78] : memref<256xi32, #tpu.memory_space<vmem>> -> memref<32xi32, #tpu.memory_space<vmem>>
    %dma_wait3A_80 = arith.constant 0 : i32
    %dma_wait3A_81 = arith.constant 0 : i32
    %dma_wait3A_82 = tpu.memref_slice %arg7[%dma_wait3A_80, %dma_wait3A_81] : memref<8192x128xf32, #tpu.memory_space<vmem_shared>> -> memref<8192x128xf32, #tpu.memory_space<vmem_shared>>
    tpu.wait_indirect_dma semaphore(%arg8 : memref<!tpu.dma_semaphore, #tpu.memory_space<semaphore_mem>>) src(%dma_wait3A_82 : memref<8192x128xf32, #tpu.memory_space<vmem_shared>>) dst(%dma_wait3A_77 : memref<32x128xf32, #tpu.memory_space<vmem>>)
    %dma_wait3A_83 = arith.constant 64 : i32
    %dma_wait3A_84 = arith.constant 0 : i32
    %dma_wait3A_85 = tpu.memref_slice %arg6[%dma_wait3A_83, %dma_wait3A_84] : memref<256x128xf32, #tpu.memory_space<vmem>> -> memref<32x128xf32, #tpu.memory_space<vmem>>
    %dma_wait3A_86 = arith.constant 64 : i32
    %dma_wait3A_87 = tpu.memref_slice %arg5[%dma_wait3A_86] : memref<256xi32, #tpu.memory_space<vmem>> -> memref<32xi32, #tpu.memory_space<vmem>>
    %dma_wait3A_88 = arith.constant 0 : i32
    %dma_wait3A_89 = arith.constant 0 : i32
    %dma_wait3A_90 = tpu.memref_slice %arg7[%dma_wait3A_88, %dma_wait3A_89] : memref<8192x128xf32, #tpu.memory_space<vmem_shared>> -> memref<8192x128xf32, #tpu.memory_space<vmem_shared>>
    tpu.wait_indirect_dma semaphore(%arg8 : memref<!tpu.dma_semaphore, #tpu.memory_space<semaphore_mem>>) src(%dma_wait3A_90 : memref<8192x128xf32, #tpu.memory_space<vmem_shared>>) dst(%dma_wait3A_85 : memref<32x128xf32, #tpu.memory_space<vmem>>)
    %dma_wait3A_91 = arith.constant 96 : i32
    %dma_wait3A_92 = arith.constant 0 : i32
    %dma_wait3A_93 = tpu.memref_slice %arg6[%dma_wait3A_91, %dma_wait3A_92] : memref<256x128xf32, #tpu.memory_space<vmem>> -> memref<32x128xf32, #tpu.memory_space<vmem>>
    %dma_wait3A_94 = arith.constant 96 : i32
    %dma_wait3A_95 = tpu.memref_slice %arg5[%dma_wait3A_94] : memref<256xi32, #tpu.memory_space<vmem>> -> memref<32xi32, #tpu.memory_space<vmem>>
    %dma_wait3A_96 = arith.constant 0 : i32
    %dma_wait3A_97 = arith.constant 0 : i32
    %dma_wait3A_98 = tpu.memref_slice %arg7[%dma_wait3A_96, %dma_wait3A_97] : memref<8192x128xf32, #tpu.memory_space<vmem_shared>> -> memref<8192x128xf32, #tpu.memory_space<vmem_shared>>
    tpu.wait_indirect_dma semaphore(%arg8 : memref<!tpu.dma_semaphore, #tpu.memory_space<semaphore_mem>>) src(%dma_wait3A_98 : memref<8192x128xf32, #tpu.memory_space<vmem_shared>>) dst(%dma_wait3A_93 : memref<32x128xf32, #tpu.memory_space<vmem>>)
    %dma_wait3A_99 = arith.constant 128 : i32
    %dma_wait3A_100 = arith.constant 0 : i32
    %dma_wait3A_101 = tpu.memref_slice %arg6[%dma_wait3A_99, %dma_wait3A_100] : memref<256x128xf32, #tpu.memory_space<vmem>> -> memref<32x128xf32, #tpu.memory_space<vmem>>
    %dma_wait3A_102 = arith.constant 128 : i32
    %dma_wait3A_103 = tpu.memref_slice %arg5[%dma_wait3A_102] : memref<256xi32, #tpu.memory_space<vmem>> -> memref<32xi32, #tpu.memory_space<vmem>>
    %dma_wait3A_104 = arith.constant 0 : i32
    %dma_wait3A_105 = arith.constant 0 : i32
    %dma_wait3A_106 = tpu.memref_slice %arg7[%dma_wait3A_104, %dma_wait3A_105] : memref<8192x128xf32, #tpu.memory_space<vmem_shared>> -> memref<8192x128xf32, #tpu.memory_space<vmem_shared>>
    tpu.wait_indirect_dma semaphore(%arg8 : memref<!tpu.dma_semaphore, #tpu.memory_space<semaphore_mem>>) src(%dma_wait3A_106 : memref<8192x128xf32, #tpu.memory_space<vmem_shared>>) dst(%dma_wait3A_101 : memref<32x128xf32, #tpu.memory_space<vmem>>)
    %dma_wait3A_107 = arith.constant 160 : i32
    %dma_wait3A_108 = arith.constant 0 : i32
    %dma_wait3A_109 = tpu.memref_slice %arg6[%dma_wait3A_107, %dma_wait3A_108] : memref<256x128xf32, #tpu.memory_space<vmem>> -> memref<32x128xf32, #tpu.memory_space<vmem>>
    %dma_wait3A_110 = arith.constant 160 : i32
    %dma_wait3A_111 = tpu.memref_slice %arg5[%dma_wait3A_110] : memref<256xi32, #tpu.memory_space<vmem>> -> memref<32xi32, #tpu.memory_space<vmem>>
    %dma_wait3A_112 = arith.constant 0 : i32
    %dma_wait3A_113 = arith.constant 0 : i32
    %dma_wait3A_114 = tpu.memref_slice %arg7[%dma_wait3A_112, %dma_wait3A_113] : memref<8192x128xf32, #tpu.memory_space<vmem_shared>> -> memref<8192x128xf32, #tpu.memory_space<vmem_shared>>
    tpu.wait_indirect_dma semaphore(%arg8 : memref<!tpu.dma_semaphore, #tpu.memory_space<semaphore_mem>>) src(%dma_wait3A_114 : memref<8192x128xf32, #tpu.memory_space<vmem_shared>>) dst(%dma_wait3A_109 : memref<32x128xf32, #tpu.memory_space<vmem>>)
    %dma_wait3A_115 = arith.constant 192 : i32
    %dma_wait3A_116 = arith.constant 0 : i32
    %dma_wait3A_117 = tpu.memref_slice %arg6[%dma_wait3A_115, %dma_wait3A_116] : memref<256x128xf32, #tpu.memory_space<vmem>> -> memref<32x128xf32, #tpu.memory_space<vmem>>
    %dma_wait3A_118 = arith.constant 192 : i32
    %dma_wait3A_119 = tpu.memref_slice %arg5[%dma_wait3A_118] : memref<256xi32, #tpu.memory_space<vmem>> -> memref<32xi32, #tpu.memory_space<vmem>>
    %dma_wait3A_120 = arith.constant 0 : i32
    %dma_wait3A_121 = arith.constant 0 : i32
    %dma_wait3A_122 = tpu.memref_slice %arg7[%dma_wait3A_120, %dma_wait3A_121] : memref<8192x128xf32, #tpu.memory_space<vmem_shared>> -> memref<8192x128xf32, #tpu.memory_space<vmem_shared>>
    tpu.wait_indirect_dma semaphore(%arg8 : memref<!tpu.dma_semaphore, #tpu.memory_space<semaphore_mem>>) src(%dma_wait3A_122 : memref<8192x128xf32, #tpu.memory_space<vmem_shared>>) dst(%dma_wait3A_117 : memref<32x128xf32, #tpu.memory_space<vmem>>)
    %dma_wait3A_123 = arith.constant 224 : i32
    %dma_wait3A_124 = arith.constant 0 : i32
    %dma_wait3A_125 = tpu.memref_slice %arg6[%dma_wait3A_123, %dma_wait3A_124] : memref<256x128xf32, #tpu.memory_space<vmem>> -> memref<32x128xf32, #tpu.memory_space<vmem>>
    %dma_wait3A_126 = arith.constant 224 : i32
    %dma_wait3A_127 = tpu.memref_slice %arg5[%dma_wait3A_126] : memref<256xi32, #tpu.memory_space<vmem>> -> memref<32xi32, #tpu.memory_space<vmem>>
    %dma_wait3A_128 = arith.constant 0 : i32
    %dma_wait3A_129 = arith.constant 0 : i32
    %dma_wait3A_130 = tpu.memref_slice %arg7[%dma_wait3A_128, %dma_wait3A_129] : memref<8192x128xf32, #tpu.memory_space<vmem_shared>> -> memref<8192x128xf32, #tpu.memory_space<vmem_shared>>
    tpu.wait_indirect_dma semaphore(%arg8 : memref<!tpu.dma_semaphore, #tpu.memory_space<semaphore_mem>>) src(%dma_wait3A_130 : memref<8192x128xf32, #tpu.memory_space<vmem_shared>>) dst(%dma_wait3A_125 : memref<32x128xf32, #tpu.memory_space<vmem>>)
    "tpu.region"() ({
      %run_scoped3A = tpu.sem_alloc : memref<!tpu.dma_semaphore, #tpu.memory_space<semaphore_mem>>
      %dma_start3A_131 = arith.constant 0 : i32
      %dma_start3A_132 = tpu.memref_slice %arg4[%mul3A_2, %dma_start3A_131] : memref<8192x128xf32, #tpu.memory_space<hbm>> -> memref<256x128xf32, #tpu.memory_space<hbm>>
      %dma_start3A_133 = arith.constant 0 : i32
      %dma_start3A_134 = tpu.memref_slice %arg4[%mul3A_2, %dma_start3A_133] : memref<8192x128xf32, #tpu.memory_space<hbm>> -> memref<256x128xf32, #tpu.memory_space<hbm>>
      tpu.enqueue_dma source(%arg6 : memref<256x128xf32, #tpu.memory_space<vmem>>) target(%dma_start3A_134 : memref<256x128xf32, #tpu.memory_space<hbm>>) target_semaphore(%run_scoped3A : memref<!tpu.dma_semaphore, #tpu.memory_space<semaphore_mem>>)
      %dma_wait3A_135 = arith.constant 0 : i32
      %dma_wait3A_136 = tpu.memref_slice %arg4[%mul3A_2, %dma_wait3A_135] : memref<8192x128xf32, #tpu.memory_space<hbm>> -> memref<256x128xf32, #tpu.memory_space<hbm>>
      %dma_wait3A_137 = arith.constant 0 : i32
      %dma_wait3A_138 = tpu.memref_slice %arg4[%mul3A_2, %dma_wait3A_137] : memref<8192x128xf32, #tpu.memory_space<hbm>> -> memref<256x128xf32, #tpu.memory_space<hbm>>
      tpu.wait_dma2 semaphore(%run_scoped3A : memref<!tpu.dma_semaphore, #tpu.memory_space<semaphore_mem>>) src(%arg6 : memref<256x128xf32, #tpu.memory_space<vmem>>) dst(%dma_wait3A_138 : memref<256x128xf32, #tpu.memory_space<hbm>>)
      tpu.yield
    }) : () -> ()
    return
  }
}

module attributes {stable_mosaic.version = 14 : i64} {
  func.func @_encode_dist_body(%arg0: i32, %arg1: memref<256x512xf32, #tpu.memory_space<vmem>>, %arg2: memref<512x32xf32, #tpu.memory_space<vmem>>, %arg3: memref<1x32xf32, #tpu.memory_space<vmem>>, %arg4: memref<32x32xf32, #tpu.memory_space<vmem>>, %arg5: memref<1x32xf32, #tpu.memory_space<vmem>>, %arg6: memref<32x8192xf32, #tpu.memory_space<vmem>>, %arg7: memref<1x1x256xi32, #tpu.memory_space<vmem>>, %arg8: memref<1x1x256xf32, #tpu.memory_space<vmem>>) attributes {dimension_semantics = [#tpu.dimension_semantics<arbitrary>], iteration_bounds = array<i64: 32>, scalar_prefetch = 0 : i64, scratch_operands = 0 : i64, tpu.core_type = #tpu.core_type<tc>, window_params = [{transform_indices = @transform_0, window_bounds = array<i64: 256, 512>}, {pipeline_mode = #tpu.pipeline_mode<synchronous>, transform_indices = @transform_1, window_bounds = array<i64: 512, 32>}, {pipeline_mode = #tpu.pipeline_mode<synchronous>, transform_indices = @transform_2, window_bounds = array<i64: 1, 32>}, {pipeline_mode = #tpu.pipeline_mode<synchronous>, transform_indices = @transform_3, window_bounds = array<i64: 32, 32>}, {pipeline_mode = #tpu.pipeline_mode<synchronous>, transform_indices = @transform_4, window_bounds = array<i64: 1, 32>}, {pipeline_mode = #tpu.pipeline_mode<synchronous>, transform_indices = @transform_5, window_bounds = array<i64: 32, 8192>}, {transform_indices = @transform_6, window_bounds = array<i64: 1, 1, 256>}, {transform_indices = @transform_7, window_bounds = array<i64: 1, 1, 256>}]} {
    %get3A = arith.constant 0 : index
    %get3A_0 = arith.constant 0 : index
    %get3A_1 = vector.load %arg1[%get3A, %get3A_0] : memref<256x512xf32, #tpu.memory_space<vmem>>, vector<256x512xf32>
    %get3A_2 = arith.constant 0 : index
    %get3A_3 = arith.constant 0 : index
    %get3A_4 = vector.load %arg2[%get3A_2, %get3A_3] : memref<512x32xf32, #tpu.memory_space<vmem>>, vector<512x32xf32>
    %dot_general3A = arith.constant dense<0.000000e+00> : vector<256x32xf32>
    %dot_general3A_5 = tpu.matmul %get3A_1, %get3A_4, %dot_general3A {dimension_numbers = #tpu.dot_dimension_numbers<[1], [0], [0], [1], [0, 0, 1, 1], [], []>, transpose_lhs_hint = false} : vector<256x512xf32>, vector<512x32xf32>, vector<256x32xf32> -> vector<256x32xf32>
    %get3A_6 = arith.constant 0 : index
    %get3A_7 = arith.constant 0 : index
    %get3A_8 = vector.load %arg3[%get3A_6, %get3A_7] : memref<1x32xf32, #tpu.memory_space<vmem>>, vector<1x32xf32>
    %add3A = vector.broadcast %get3A_8 : vector<1x32xf32> to vector<256x32xf32>
    %add3A_9 = arith.addf %dot_general3A_5, %add3A : vector<256x32xf32>
    %max3A = arith.constant 0.000000e+00 : f32
    %max3A_10 = vector.broadcast %max3A : f32 to vector<256x32xf32>
    %max3A_11 = arith.maximumf %add3A_9, %max3A_10 : vector<256x32xf32>
    %get3A_12 = arith.constant 0 : index
    %get3A_13 = arith.constant 0 : index
    %get3A_14 = vector.load %arg4[%get3A_12, %get3A_13] : memref<32x32xf32, #tpu.memory_space<vmem>>, vector<32x32xf32>
    %dot_general3A_15 = arith.constant dense<0.000000e+00> : vector<256x32xf32>
    %dot_general3A_16 = tpu.matmul %max3A_11, %get3A_14, %dot_general3A_15 {dimension_numbers = #tpu.dot_dimension_numbers<[1], [0], [0], [1], [0, 0, 1, 1], [], []>, transpose_lhs_hint = false} : vector<256x32xf32>, vector<32x32xf32>, vector<256x32xf32> -> vector<256x32xf32>
    %get3A_17 = arith.constant 0 : index
    %get3A_18 = arith.constant 0 : index
    %get3A_19 = vector.load %arg5[%get3A_17, %get3A_18] : memref<1x32xf32, #tpu.memory_space<vmem>>, vector<1x32xf32>
    %add3A_20 = vector.broadcast %get3A_19 : vector<1x32xf32> to vector<256x32xf32>
    %add3A_21 = arith.addf %dot_general3A_16, %add3A_20 : vector<256x32xf32>
    %max3A_22 = arith.constant 0.000000e+00 : f32
    %max3A_23 = vector.broadcast %max3A_22 : f32 to vector<256x32xf32>
    %max3A_24 = arith.maximumf %add3A_21, %max3A_23 : vector<256x32xf32>
    %get3A_25 = arith.constant 0 : index
    %get3A_26 = arith.constant 0 : index
    %get3A_27 = vector.load %arg6[%get3A_25, %get3A_26] : memref<32x8192xf32, #tpu.memory_space<vmem>>, vector<32x8192xf32>
    %mul3A = arith.mulf %get3A_27, %get3A_27 : vector<32x8192xf32>
    %reduce_sum3A = arith.constant dense<0.000000e+00> : vector<8192xf32>
    %reduce_sum3A_28 = vector.multi_reduction <add>, %mul3A, %reduce_sum3A [0] : vector<32x8192xf32> to vector<8192xf32>
    %broadcast_in_dim3A = vector.shape_cast %reduce_sum3A_28 : vector<8192xf32> to vector<1x8192xf32>
    %mul3A_29 = arith.mulf %max3A_24, %max3A_24 : vector<256x32xf32>
    %reduce_sum3A_30 = arith.constant dense<0.000000e+00> : vector<256xf32>
    %reduce_sum3A_31 = vector.multi_reduction <add>, %mul3A_29, %reduce_sum3A_30 [1] : vector<256x32xf32> to vector<256xf32>
    %broadcast_in_dim3A_32 = vector.shape_cast %reduce_sum3A_31 : vector<256xf32> to vector<256x1xf32>
    %add3A_33 = vector.broadcast %broadcast_in_dim3A_32 : vector<256x1xf32> to vector<256x8192xf32>
    %add3A_34 = vector.broadcast %broadcast_in_dim3A : vector<1x8192xf32> to vector<256x8192xf32>
    %add3A_35 = arith.addf %add3A_33, %add3A_34 : vector<256x8192xf32>
    %add3A_36 = arith.addf %max3A_24, %max3A_24 : vector<256x32xf32>
    %dot_general3A_37 = arith.constant dense<0.000000e+00> : vector<256x8192xf32>
    %dot_general3A_38 = tpu.matmul %add3A_36, %get3A_27, %dot_general3A_37 {dimension_numbers = #tpu.dot_dimension_numbers<[1], [0], [0], [1], [0, 0, 1, 1], [], []>, transpose_lhs_hint = false} : vector<256x32xf32>, vector<32x8192xf32>, vector<256x8192xf32> -> vector<256x8192xf32>
    %sub3A = arith.subf %add3A_35, %dot_general3A_38 : vector<256x8192xf32>
    %max3A_39 = arith.constant 0.000000e+00 : f32
    %max3A_40 = vector.broadcast %max3A_39 : f32 to vector<256x8192xf32>
    %max3A_41 = arith.maximumf %sub3A, %max3A_40 : vector<256x8192xf32>
    %reduce_min3A = arith.constant dense<0x7F800000> : vector<256xf32>
    %reduce_min3A_42 = vector.multi_reduction <minimumf>, %max3A_41, %reduce_min3A [1] : vector<256x8192xf32> to vector<256xf32>
    %broadcast_in_dim3A_43 = vector.shape_cast %reduce_min3A_42 : vector<256xf32> to vector<256x1xf32>
    %sqrt3A = math.sqrt %broadcast_in_dim3A_43 : vector<256x1xf32>
    %bitcast_convert_type3A = tpu.bitcast %sqrt3A : vector<256x1xf32> -> vector<256x1xi32>
    %add3A_44 = arith.constant 1 : i32
    %add3A_45 = vector.broadcast %add3A_44 : i32 to vector<256x1xi32>
    %add3A_46 = arith.addi %bitcast_convert_type3A, %add3A_45 : vector<256x1xi32>
    %bitcast_convert_type3A_47 = tpu.bitcast %add3A_46 : vector<256x1xi32> -> vector<256x1xf32>
    %mul3A_48 = arith.mulf %sqrt3A, %bitcast_convert_type3A_47 : vector<256x1xf32>
    %bitcast_convert_type3A_49 = tpu.bitcast %mul3A_48 : vector<256x1xf32> -> vector<256x1xi32>
    %add3A_50 = arith.constant -3 : i32
    %add3A_51 = vector.broadcast %add3A_50 : i32 to vector<256x1xi32>
    %add3A_52 = arith.addi %bitcast_convert_type3A_49, %add3A_51 : vector<256x1xi32>
    %bitcast_convert_type3A_53 = tpu.bitcast %add3A_52 : vector<256x1xi32> -> vector<256x1xf32>
    %sqrt3A_54 = math.sqrt %bitcast_convert_type3A_53 : vector<256x1xf32>
    %eq3A = arith.cmpf oeq, %sqrt3A_54, %sqrt3A : vector<256x1xf32>
    %max3A_55 = arith.maximumf %broadcast_in_dim3A_43, %bitcast_convert_type3A_53 : vector<256x1xf32>
    %select_n3A = arith.select %eq3A, %max3A_55, %broadcast_in_dim3A_43 : vector<256x1xi1>, vector<256x1xf32>
    %add3A_56 = arith.constant -2 : i32
    %add3A_57 = vector.broadcast %add3A_56 : i32 to vector<256x1xi32>
    %add3A_58 = arith.addi %bitcast_convert_type3A_49, %add3A_57 : vector<256x1xi32>
    %bitcast_convert_type3A_59 = tpu.bitcast %add3A_58 : vector<256x1xi32> -> vector<256x1xf32>
    %sqrt3A_60 = math.sqrt %bitcast_convert_type3A_59 : vector<256x1xf32>
    %eq3A_61 = arith.cmpf oeq, %sqrt3A_60, %sqrt3A : vector<256x1xf32>
    %max3A_62 = arith.maximumf %select_n3A, %bitcast_convert_type3A_59 : vector<256x1xf32>
    %select_n3A_63 = arith.select %eq3A_61, %max3A_62, %select_n3A : vector<256x1xi1>, vector<256x1xf32>
    %add3A_64 = arith.constant -1 : i32
    %add3A_65 = vector.broadcast %add3A_64 : i32 to vector<256x1xi32>
    %add3A_66 = arith.addi %bitcast_convert_type3A_49, %add3A_65 : vector<256x1xi32>
    %bitcast_convert_type3A_67 = tpu.bitcast %add3A_66 : vector<256x1xi32> -> vector<256x1xf32>
    %sqrt3A_68 = math.sqrt %bitcast_convert_type3A_67 : vector<256x1xf32>
    %eq3A_69 = arith.cmpf oeq, %sqrt3A_68, %sqrt3A : vector<256x1xf32>
    %max3A_70 = arith.maximumf %select_n3A_63, %bitcast_convert_type3A_67 : vector<256x1xf32>
    %select_n3A_71 = arith.select %eq3A_69, %max3A_70, %select_n3A_63 : vector<256x1xi1>, vector<256x1xf32>
    %add3A_72 = arith.constant 0 : i32
    %add3A_73 = vector.broadcast %add3A_72 : i32 to vector<256x1xi32>
    %add3A_74 = arith.addi %bitcast_convert_type3A_49, %add3A_73 : vector<256x1xi32>
    %bitcast_convert_type3A_75 = tpu.bitcast %add3A_74 : vector<256x1xi32> -> vector<256x1xf32>
    %sqrt3A_76 = math.sqrt %bitcast_convert_type3A_75 : vector<256x1xf32>
    %eq3A_77 = arith.cmpf oeq, %sqrt3A_76, %sqrt3A : vector<256x1xf32>
    %max3A_78 = arith.maximumf %select_n3A_71, %bitcast_convert_type3A_75 : vector<256x1xf32>
    %select_n3A_79 = arith.select %eq3A_77, %max3A_78, %select_n3A_71 : vector<256x1xi1>, vector<256x1xf32>
    %add3A_80 = arith.constant 1 : i32
    %add3A_81 = vector.broadcast %add3A_80 : i32 to vector<256x1xi32>
    %add3A_82 = arith.addi %bitcast_convert_type3A_49, %add3A_81 : vector<256x1xi32>
    %bitcast_convert_type3A_83 = tpu.bitcast %add3A_82 : vector<256x1xi32> -> vector<256x1xf32>
    %sqrt3A_84 = math.sqrt %bitcast_convert_type3A_83 : vector<256x1xf32>
    %eq3A_85 = arith.cmpf oeq, %sqrt3A_84, %sqrt3A : vector<256x1xf32>
    %max3A_86 = arith.maximumf %select_n3A_79, %bitcast_convert_type3A_83 : vector<256x1xf32>
    %select_n3A_87 = arith.select %eq3A_85, %max3A_86, %select_n3A_79 : vector<256x1xi1>, vector<256x1xf32>
    %add3A_88 = arith.constant 2 : i32
    %add3A_89 = vector.broadcast %add3A_88 : i32 to vector<256x1xi32>
    %add3A_90 = arith.addi %bitcast_convert_type3A_49, %add3A_89 : vector<256x1xi32>
    %bitcast_convert_type3A_91 = tpu.bitcast %add3A_90 : vector<256x1xi32> -> vector<256x1xf32>
    %sqrt3A_92 = math.sqrt %bitcast_convert_type3A_91 : vector<256x1xf32>
    %eq3A_93 = arith.cmpf oeq, %sqrt3A_92, %sqrt3A : vector<256x1xf32>
    %max3A_94 = arith.maximumf %select_n3A_87, %bitcast_convert_type3A_91 : vector<256x1xf32>
    %select_n3A_95 = arith.select %eq3A_93, %max3A_94, %select_n3A_87 : vector<256x1xi1>, vector<256x1xf32>
    %iota3A = tpu.iota {dimensions = array<i32: 1>} : vector<256x8192xi32>
    %le3A = vector.broadcast %select_n3A_95 : vector<256x1xf32> to vector<256x8192xf32>
    %le3A_96 = arith.cmpf ole, %max3A_41, %le3A : vector<256x8192xf32>
    %jit3A = arith.constant 8192 : i32
    %broadcast_in_dim3A_97 = vector.broadcast %jit3A : i32 to vector<256x8192xi32>
    %select_n3A_98 = arith.select %le3A_96, %iota3A, %broadcast_in_dim3A_97 : vector<256x8192xi1>, vector<256x8192xi32>
    %reduce_min3A_99 = arith.constant dense<2147483647> : vector<256xi32>
    %reduce_min3A_100 = vector.multi_reduction <minsi>, %select_n3A_98, %reduce_min3A_99 [1] : vector<256x8192xi32> to vector<256xi32>
    %reshape3A = vector.shape_cast %reduce_min3A_100 : vector<256xi32> to vector<1x1x256xi32>
    %swap3A = arith.constant 0 : index
    %swap3A_101 = arith.constant 0 : index
    %swap3A_102 = arith.constant 0 : index
    %swap3A_103 = vector.load %arg7[%swap3A, %swap3A_101, %swap3A_102] : memref<1x1x256xi32, #tpu.memory_space<vmem>>, vector<1x1x256xi32>
    tpu.vector_store %arg7[%swap3A, %swap3A_101, %swap3A_102], %reshape3A {strides = array<i32>} : memref<1x1x256xi32, #tpu.memory_space<vmem>>, vector<1x1x256xi32>,
    %reshape3A_104 = vector.shape_cast %sqrt3A : vector<256x1xf32> to vector<1x1x256xf32>
    %swap3A_105 = arith.constant 0 : index
    %swap3A_106 = arith.constant 0 : index
    %swap3A_107 = arith.constant 0 : index
    %swap3A_108 = vector.load %arg8[%swap3A_105, %swap3A_106, %swap3A_107] : memref<1x1x256xf32, #tpu.memory_space<vmem>>, vector<1x1x256xf32>
    tpu.vector_store %arg8[%swap3A_105, %swap3A_106, %swap3A_107], %reshape3A_104 {strides = array<i32>} : memref<1x1x256xf32, #tpu.memory_space<vmem>>, vector<1x1x256xf32>,
    return
  }
  func.func @transform_0(%arg0: i32) -> (i32, i32) {
    %c0_i32 = arith.constant 0 : i32
    %c0_i32_0 = arith.constant 0 : i32
    return %arg0, %c0_i32 : i32, i32
  }
  func.func @transform_1(%arg0: i32) -> (i32, i32) {
    %c0_i32 = arith.constant 0 : i32
    %c0_i32_0 = arith.constant 0 : i32
    %c0_i32_1 = arith.constant 0 : i32
    return %c0_i32, %c0_i32_0 : i32, i32
  }
  func.func @transform_2(%arg0: i32) -> (i32, i32) {
    %c0_i32 = arith.constant 0 : i32
    %c0_i32_0 = arith.constant 0 : i32
    %c0_i32_1 = arith.constant 0 : i32
    return %c0_i32, %c0_i32_0 : i32, i32
  }
  func.func @transform_3(%arg0: i32) -> (i32, i32) {
    %c0_i32 = arith.constant 0 : i32
    %c0_i32_0 = arith.constant 0 : i32
    %c0_i32_1 = arith.constant 0 : i32
    return %c0_i32, %c0_i32_0 : i32, i32
  }
  func.func @transform_4(%arg0: i32) -> (i32, i32) {
    %c0_i32 = arith.constant 0 : i32
    %c0_i32_0 = arith.constant 0 : i32
    %c0_i32_1 = arith.constant 0 : i32
    return %c0_i32, %c0_i32_0 : i32, i32
  }
  func.func @transform_5(%arg0: i32) -> (i32, i32) {
    %c0_i32 = arith.constant 0 : i32
    %c0_i32_0 = arith.constant 0 : i32
    %c0_i32_1 = arith.constant 0 : i32
    return %c0_i32, %c0_i32_0 : i32, i32
  }
  func.func @transform_6(%arg0: i32) -> (i32, i32, i32) {
    %c0_i32 = arith.constant 0 : i32
    %c0_i32_0 = arith.constant 0 : i32
    %c0_i32_1 = arith.constant 0 : i32
    return %arg0, %c0_i32, %c0_i32_0 : i32, i32, i32
  }
  func.func @transform_7(%arg0: i32) -> (i32, i32, i32) {
    %c0_i32 = arith.constant 0 : i32
    %c0_i32_0 = arith.constant 0 : i32
    %c0_i32_1 = arith.constant 0 : i32
    return %arg0, %c0_i32, %c0_i32_0 : i32, i32, i32
  }
}

module attributes {stable_mosaic.version = 14 : i64} {
  func.func @_decode_body(%arg0: i32, %arg1: memref<1024x128xf32, #tpu.memory_space<vmem>>, %arg2: memref<32x32xf32, #tpu.memory_space<vmem>>, %arg3: memref<1x32xf32, #tpu.memory_space<vmem>>, %arg4: memref<32x512xf32, #tpu.memory_space<vmem>>, %arg5: memref<1x512xf32, #tpu.memory_space<vmem>>, %arg6: memref<1024x512xf32, #tpu.memory_space<vmem>>, %arg7: memref<1024x32xf32, #tpu.memory_space<vmem>>) attributes {dimension_semantics = [#tpu.dimension_semantics<arbitrary>], iteration_bounds = array<i64: 8>, scalar_prefetch = 0 : i64, scratch_operands = 0 : i64, tpu.core_type = #tpu.core_type<tc>, window_params = [{transform_indices = @transform_0, window_bounds = array<i64: 1024, 128>}, {pipeline_mode = #tpu.pipeline_mode<synchronous>, transform_indices = @transform_1, window_bounds = array<i64: 32, 32>}, {pipeline_mode = #tpu.pipeline_mode<synchronous>, transform_indices = @transform_2, window_bounds = array<i64: 1, 32>}, {pipeline_mode = #tpu.pipeline_mode<synchronous>, transform_indices = @transform_3, window_bounds = array<i64: 32, 512>}, {pipeline_mode = #tpu.pipeline_mode<synchronous>, transform_indices = @transform_4, window_bounds = array<i64: 1, 512>}, {transform_indices = @transform_5, window_bounds = array<i64: 1024, 512>}, {transform_indices = @transform_6, window_bounds = array<i64: 1024, 32>}]} {
    %get3A = arith.constant 0 : index
    %get3A_0 = arith.constant 0 : index
    %get3A_1 = vector.load %arg1[%get3A, %get3A_0] : memref<1024x128xf32, #tpu.memory_space<vmem>>, vector<1024x128xf32>
    %slice3A = vector.extract_strided_slice %get3A_1 {offsets = [0, 0], sizes = [1024, 32], strides = [1, 1]} : vector<1024x128xf32> to vector<1024x32xf32>
    %swap3A = arith.constant 0 : index
    %swap3A_2 = arith.constant 0 : index
    %swap3A_3 = vector.load %arg7[%swap3A, %swap3A_2] : memref<1024x32xf32, #tpu.memory_space<vmem>>, vector<1024x32xf32>
    tpu.vector_store %arg7[%swap3A, %swap3A_2], %slice3A {strides = array<i32>} : memref<1024x32xf32, #tpu.memory_space<vmem>>, vector<1024x32xf32>,
    %get3A_4 = arith.constant 0 : index
    %get3A_5 = arith.constant 0 : index
    %get3A_6 = vector.load %arg2[%get3A_4, %get3A_5] : memref<32x32xf32, #tpu.memory_space<vmem>>, vector<32x32xf32>
    %dot_general3A = arith.constant dense<0.000000e+00> : vector<1024x32xf32>
    %dot_general3A_7 = tpu.matmul %slice3A, %get3A_6, %dot_general3A {dimension_numbers = #tpu.dot_dimension_numbers<[1], [0], [0], [1], [0, 0, 1, 1], [], []>, transpose_lhs_hint = false} : vector<1024x32xf32>, vector<32x32xf32>, vector<1024x32xf32> -> vector<1024x32xf32>
    %get3A_8 = arith.constant 0 : index
    %get3A_9 = arith.constant 0 : index
    %get3A_10 = vector.load %arg3[%get3A_8, %get3A_9] : memref<1x32xf32, #tpu.memory_space<vmem>>, vector<1x32xf32>
    %add3A = vector.broadcast %get3A_10 : vector<1x32xf32> to vector<1024x32xf32>
    %add3A_11 = arith.addf %dot_general3A_7, %add3A : vector<1024x32xf32>
    %max3A = arith.constant 0.000000e+00 : f32
    %max3A_12 = vector.broadcast %max3A : f32 to vector<1024x32xf32>
    %max3A_13 = arith.maximumf %add3A_11, %max3A_12 : vector<1024x32xf32>
    %get3A_14 = arith.constant 0 : index
    %get3A_15 = arith.constant 0 : index
    %get3A_16 = vector.load %arg4[%get3A_14, %get3A_15] : memref<32x512xf32, #tpu.memory_space<vmem>>, vector<32x512xf32>
    %dot_general3A_17 = arith.constant dense<0.000000e+00> : vector<1024x512xf32>
    %dot_general3A_18 = tpu.matmul %max3A_13, %get3A_16, %dot_general3A_17 {dimension_numbers = #tpu.dot_dimension_numbers<[1], [0], [0], [1], [0, 0, 1, 1], [], []>, transpose_lhs_hint = false} : vector<1024x32xf32>, vector<32x512xf32>, vector<1024x512xf32> -> vector<1024x512xf32>
    %get3A_19 = arith.constant 0 : index
    %get3A_20 = arith.constant 0 : index
    %get3A_21 = vector.load %arg5[%get3A_19, %get3A_20] : memref<1x512xf32, #tpu.memory_space<vmem>>, vector<1x512xf32>
    %add3A_22 = vector.broadcast %get3A_21 : vector<1x512xf32> to vector<1024x512xf32>
    %add3A_23 = arith.addf %dot_general3A_18, %add3A_22 : vector<1024x512xf32>
    %swap3A_24 = arith.constant 0 : index
    %swap3A_25 = arith.constant 0 : index
    %swap3A_26 = vector.load %arg6[%swap3A_24, %swap3A_25] : memref<1024x512xf32, #tpu.memory_space<vmem>>, vector<1024x512xf32>
    tpu.vector_store %arg6[%swap3A_24, %swap3A_25], %add3A_23 {strides = array<i32>} : memref<1024x512xf32, #tpu.memory_space<vmem>>, vector<1024x512xf32>,
    return
  }
  func.func @transform_0(%arg0: i32) -> (i32, i32) {
    %c0_i32 = arith.constant 0 : i32
    %c0_i32_0 = arith.constant 0 : i32
    return %arg0, %c0_i32 : i32, i32
  }
  func.func @transform_1(%arg0: i32) -> (i32, i32) {
    %c0_i32 = arith.constant 0 : i32
    %c0_i32_0 = arith.constant 0 : i32
    %c0_i32_1 = arith.constant 0 : i32
    return %c0_i32, %c0_i32_0 : i32, i32
  }
  func.func @transform_2(%arg0: i32) -> (i32, i32) {
    %c0_i32 = arith.constant 0 : i32
    %c0_i32_0 = arith.constant 0 : i32
    %c0_i32_1 = arith.constant 0 : i32
    return %c0_i32, %c0_i32_0 : i32, i32
  }
  func.func @transform_3(%arg0: i32) -> (i32, i32) {
    %c0_i32 = arith.constant 0 : i32
    %c0_i32_0 = arith.constant 0 : i32
    %c0_i32_1 = arith.constant 0 : i32
    return %c0_i32, %c0_i32_0 : i32, i32
  }
  func.func @transform_4(%arg0: i32) -> (i32, i32) {
    %c0_i32 = arith.constant 0 : i32
    %c0_i32_0 = arith.constant 0 : i32
    %c0_i32_1 = arith.constant 0 : i32
    return %c0_i32, %c0_i32_0 : i32, i32
  }
  func.func @transform_5(%arg0: i32) -> (i32, i32) {
    %c0_i32 = arith.constant 0 : i32
    %c0_i32_0 = arith.constant 0 : i32
    return %arg0, %c0_i32 : i32, i32
  }
  func.func @transform_6(%arg0: i32) -> (i32, i32) {
    %c0_i32 = arith.constant 0 : i32
    %c0_i32_0 = arith.constant 0 : i32
    return %arg0, %c0_i32 : i32, i32
  }
}

</mosaic_0001>

<sc_bundles>
// kernel: kernel.5.cloned.1.call-start
scs
__scs_entry_jumppad:
0x0: {  	(pc) =	sbr.rel $0x88, $3  }
0x1: {  	(tag) =	ssettag $0x0;
	lr =	simm.s32 $0x1  }
0x2: {  	[smem:$0x3F97] =	sst lr;
	_ =	strace $0xD0000000  }
0x3: {  	_ = 	snop  }
0x4: {  	_ = 	snop  }
0x5: {  	_ = 	snop  }
0x6: {  	_ = 	snop  }
0x7: {  	_ = 	snop  }
__scs_overlays_trampoline_lowered:
0x8: {  	[smem:$0x3FA6] =	sst s0  }
0x9: {  	[smem:$0x3FA7] =	sst s1  }
0xa: {  	[smem:$0x3FA8] =	sst s2  }
0xb: {  	[smem:$0x3FA9] =	sst s3  }
0xc: {  	[smem:$0x3FAA] =	sst s4  }
0xd: {  	[smem:$0x3FAB] =	sst s5  }
0xe: {  	[smem:$0x3FAC] =	sst s6  }
0xf: {  	[smem:$0x3FAD] =	sst s7  }
0x10: {  	[smem:$0x3FAE] =	sst s8  }
0x11: {  	[smem:$0x3FAF] =	sst s9;
	s0 =	simm.s32 @!p0 $0x0  }
0x12: {  	s1 =	sld [smem:$0x3F95];
	s0 =	simm.s32 @p0 $0x1  }
0x13: {  	[smem:$0x3FB0] =	sst s0;
	s0 =	simm.s32 @!p1 $0x0  }
0x14: {  	s2 =	sld [smem:$0x3F94];
	s0 =	simm.s32 @p1 $0x1  }
0x15: {  	[smem:$0x3FB1] =	sst s0;
	s0 =	simm.s32 @!p2 $0x0  }
0x16: {  	s3 =	sld [smem:$0x3FDB];
	s0 =	simm.s32 @p2 $0x1  }
0x17: {  	s4 =	simm.s32 $0x1BF5;
	[smem:$0x3FB3] =	sst s0  }
0x18: {  	s0 =	sld [smem:$0x3F96];
	_ =	swait.ge [sflag:s4], $0x0  }
0x19: {  	s7 =	sld [smem:$0x3F97]  }
0x1a: {  	s8 =	sadd.s32 $0xFFFFE003, lr  }
0x1b: {  	s9 =	sadd.s32 $0xFFFFFEF7, lr;
	s5 =	simm.s32 $0xFFFFFFFF;
	p2 =	slt.u32 s8, $0xFFFFF086  }
0x1c: {  	p1 =	slt.u32 s9, $0xF7A;
	s5 =	simm.s32 @!p2 $0x0  }
0x1d: {  	s5 =	simm.s32 @p1 $0x1;
	p0 =	seq.s32 s7, s2  }
0x1e: {  	s7 =	smul.u32 @!p0 $0xF7A, s2;
	p2 =	seq.s32 @!p0 s5, $0x0  }
0x1f: {  	s9 =	smul.u32 $0xF7A, s1;
	s8 =	simm.s32 @!p0 $0x1BF5;
	p2 =	por !p2, p0  }
0x20: {  	[sflag:s8] =	ssyncset.s32 @!p0 $0xFFFFF086;
	s6 =	sadd.s32 @!p0 s3, s7;
	s7 =	simm.s32 @!p0 $0x108  }
0x21: {  	s3 =	sadd.s32 s3, s9;
	s6 =	sadd.s32 @!p0 $0x88, s6;
	s7 =	simm.s32 @p2 $0x1082  }
0x22: {  	[simem:s7], [sflag:s8] =	dma.local @!p0 [hbm:s6], $0xF7A  }
0x23: {  	s9 =	sor.u32 $0xD0000000, s2;
	s6 =	simm.s32 $0x108;
	_ =	swait.ge @!p0 [sflag:s8], $0x0  }
0x24: {  	s3 =	sadd.s32 $0x88, s3;
	s6 =	simm.s32 @!p1 $0x1082;
	[sflag:s4] =	ssyncset.s32 $0xFFFFF086  }
0x25: {  	[simem:s6], [sflag:s4] =	dma.local [hbm:s3], $0xF7A  }
0x26: {  	[smem:$0x3F97] =	sst s1;
	(tag) =	ssettag s2;
	_ =	strace s9  }
0x27: {  	s1 =	sld [smem:$0x3FA7]  }
0x28: {  	s2 =	sld [smem:$0x3FA8]  }
0x29: {  	s4 =	sld [smem:$0x3FAA]  }
0x2a: {  	p0 =	seq.s32 s5, $0x0;
	s5 =	sld [smem:$0x3FAB]  }
0x2b: {  	s6 =	sld [smem:$0x3FAC]  }
0x2c: {  	s7 =	sld [smem:$0x3FAD]  }
0x2d: {  	s3 =	simm.s32 $0x108;
	s8 =	sld [smem:$0x3FAE]  }
0x2e: {  	s3 =	simm.s32 @!p0 $0x1082;
	s9 =	sld [smem:$0x3FAF]  }
0x2f: {  	lr =	sadd.s32 s0, s3;
	s0 =	sld [smem:$0x3FA6]  }
0x30: {  	s3 =	sld [smem:$0x3FA9]  }
0x31: {  	[smem:$0x3FB2] =	sst s10  }
0x32: {  	s10 =	sld [smem:$0x3FB0];
	_ =	sdelay $0x3  }
0x33: {  	p0 =	seq.s32 s10, $0x1;
	s10 =	sld [smem:$0x3FB2];
	_ =	sdelay $0x3  }
0x34: {  	[smem:$0x3FB2] =	sst s10  }
0x35: {  	s10 =	sld [smem:$0x3FB1];
	_ =	sdelay $0x3  }
0x36: {  	p1 =	seq.s32 s10, $0x1;
	s10 =	sld [smem:$0x3FB2];
	_ =	sdelay $0x3  }
0x37: {  	[smem:$0x3FB2] =	sst s10  }
0x38: {  	s10 =	sld [smem:$0x3FB3]  }
0x39: {  	_ = 	snop;
	(pc) =	sbr.ind lr, $3  }
0x3a: {  	_ = 	snop  }
0x3b: {  	_ = 	snop  }
0x3c: {  	p2 =	seq.s32 s10, $0x1;
	s10 =	sld [smem:$0x3FB2]  }
0x3d: {  	_ =	shalt  }
0x3e: {  	_ =	shalt  }
0x3f: {  	_ =	shalt  }
0x40: {  	_ =	shalt  }
0x41: {  	_ =	shalt  }
0x42: {  	_ =	shalt  }
0x43: {  	_ =	shalt  }
0x44: {  	_ =	shalt  }
0x45: {  	_ =	shalt  }
0x46: {  	_ =	shalt  }
0x47: {  	_ =	shalt  }
0x48: {  	_ =	shalt  }
0x49: {  	_ =	shalt  }
0x4a: {  	_ =	shalt  }
0x4b: {  	_ =	shalt  }
0x4c: {  	_ =	shalt  }
0x4d: {  	_ =	shalt  }
0x4e: {  	_ =	shalt  }
0x4f: {  	_ =	shalt  }
0x50: {  	_ =	shalt  }
0x51: {  	_ =	shalt  }
0x52: {  	_ =	shalt  }
0x53: {  	_ =	shalt  }
0x54: {  	_ =	shalt  }
0x55: {  	_ =	shalt  }
0x56: {  	_ =	shalt  }
0x57: {  	_ =	shalt  }
0x58: {  	_ =	shalt  }
0x59: {  	_ =	shalt  }
0x5a: {  	_ =	shalt  }
0x5b: {  	_ =	shalt  }
0x5c: {  	_ =	shalt  }
0x5d: {  	_ =	shalt  }
0x5e: {  	_ =	shalt  }
0x5f: {  	_ =	shalt  }
0x60: {  	_ =	shalt  }
0x61: {  	_ =	shalt  }
0x62: {  	_ =	shalt  }
0x63: {  	_ =	shalt  }
0x64: {  	_ =	shalt  }
0x65: {  	_ =	shalt  }
0x66: {  	_ =	shalt  }
0x67: {  	_ =	shalt  }
0x68: {  	_ =	shalt  }
0x69: {  	_ =	shalt  }
0x6a: {  	_ =	shalt  }
0x6b: {  	_ =	shalt  }
0x6c: {  	_ =	shalt  }
0x6d: {  	_ =	shalt  }
0x6e: {  	_ =	shalt  }
0x6f: {  	_ =	shalt  }
0x70: {  	_ =	shalt  }
0x71: {  	_ =	shalt  }
0x72: {  	_ =	shalt  }
0x73: {  	_ =	shalt  }
0x74: {  	_ =	shalt  }
0x75: {  	_ =	shalt  }
0x76: {  	_ =	shalt  }
0x77: {  	_ =	shalt  }
0x78: {  	_ =	shalt  }
0x79: {  	_ =	shalt  }
0x7a: {  	_ =	shalt  }
0x7b: {  	_ =	shalt  }
0x7c: {  	_ =	shalt  }
0x7d: {  	_ =	shalt  }
0x7e: {  	_ =	shalt  }
0x7f: {  	_ =	shalt  }
0x80: {  	_ =	shalt  }
0x81: {  	_ =	shalt  }
0x82: {  	_ =	shalt  }
0x83: {  	_ =	shalt  }
0x84: {  	_ =	shalt  }
0x85: {  	_ =	shalt  }
0x86: {  	_ =	shalt  }
0x87: {  	_ =	shalt  }
.Lfunc_end0:
.L_simem_size_0:
called_computation_lowered:
.L_overlay_start_0:
0x88: {  	s2 =	sld [smem:$0x3FD9]  }
0x89: {  	s3 =	sld [smem:$0x3FFE];
	_ =	sdelay $0x1  }
0x8a: {  	s1 =	srdreg.scid  }
0x8b: {  	s0 =	sand.u32 $0x1, s1  }
0x8c: {  	s14 =	sshll.u32 s0, $0xA;
	s2 =	sadd.s32 s3, s2  }
0x8d: {  	s2 =	sadd.s32 s2, s14  }
0x8e: {  	[smem:$0x3FBE] =	sst s2  }
0x8f: {  	_ = 	snop  }
0x90: {  	s2 =	sld [smem:$0x3FD0];
	_ =	sdelay $0x2  }
0x91: {  	s15 =	simm.s32 $0xA;
	s4 =	simm.s32 $0x10  }
0x92: {  	[smem:s4], [sflag:s15] =	dma.local [hbm:s2], $0x1  }
0x93: {  	_ =	swait.eq [sflag:s15], $0x1  }
0x94: {  	[sflag:s15] =	ssyncset.done $0x0  }
0x95: {  	s16 =	sld [smem:$0x10];
	[sflag:s15] =	ssyncadd.s32 $0xFFFFFFFF  }
0x96: {  	s17 =	sld [smem:$0x12];
	(tm) =	ssettm $0x1  }
0x97: {  	s18 =	sld [smem:$0x3FFB];
	_ =	sdelay $0x3  }
0x98: {  	_ =	strace s18  }
0x99: {  	s4 =	sld [smem:$0x3FFC];
	_ =	sdelay $0x3  }
0x9a: {  	_ =	strace s4  }
0x9b: {  	s4 =	sld [smem:$0x3FFD];
	_ =	sdelay $0x3  }
0x9c: {  	_ =	strace s4  }
0x9d: {  	_ =	strace $0x8FFFFFFF  }
0x9e: {  	s19 =	sld [smem:$0x3FDB];
	_ =	sdelay $0x1  }
0x9f: {  	s5 =	simm.s32 $_scs_section_size  }
0xa0: {  	s6 =	simm.s32 $_size__tile_overlayer_lowered;
	s7 =	simm.s32 $_tile_overlayer_lowered  }
0xa1: {  	s22 =	simm.s32 $0x1BFF;
	s21 =	sshll.u32 s7, $0x1;
	s4 =	sadd.s32 s5, s19  }
0xa2: {  	s8 =	simm.s32 $0x0;
	s20 =	sshll.u32 s6, $0x1;
	s6 =	sadd.s32 s21, s4  }
0xa3: {  	[timem:s8], [sflag:s22] =	dma.local [hbm:s6], s20  }
0xa4: {  	_ =	swait.ge [sflag:s22], s20  }
0xa5: {  	s5 =	ssub.s32 $0x0, s20;
	[sflag:s22] =	ssyncset.done $0x0  }
0xa6: {  	[sflag:s22] =	ssyncadd.s32 s5;
	_ =	sdelay $0x1  }
0xa7: {  	s23 =	simm.s32 $0x1B8B  }
0xa8: {  	_ =	swait.ge [sflag:s23], $0x1  }
0xa9: {  	[sflag:s23] =	ssyncset.done $0x0  }
0xaa: {  	s25 =	simm.s32 $0x1B8E;
	s24 =	sld [smem:$0x3FFE];
	[sflag:s23] =	ssyncadd.s32 $0xFFFFFFFF  }
0xab: {  	s26 =	simm.s32 $execute0_lowered;
	[smem:$0x3FD2] =	sst s25  }
0xac: {  	s6 =	sshll.u32 s26, $0x1;
	_ =	strace $0x80000046;
	[dreg:$0x1] =	wrdreg $0xFFFFFFFF  }
0xad: {  	s28 =	simm.s32 $_size_execute0_lowered;
	s4 =	sadd.s32 s4, s6;
	[dreg:$0x0] =	wrdreg $0x0  }
0xae: {  	s6 =	sshll.u32 s28, $0x1;
	[dreg:$0x2] =	wrdreg s4  }
0xaf: {  	[dreg:$0x3] =	wrdreg s6  }
0xb0: {  	[dreg:$0x4] =	wrdreg $0xC0  }
0xb1: {  	_ =	task [dreg:s8], $0x5FFFF  }
0xb2: {  	[dreg:$0x1] =	wrdreg $0xFFFFFFFF  }
0xb3: {  	[dreg:$0x0] =	wrdreg $0x60  }
0xb4: {  	[dreg:$0x2] =	wrdreg s17  }
0xb5: {  	[dreg:$0x3] =	wrdreg s16  }
0xb6: {  	[dreg:$0x4] =	wrdreg s24  }
0xb7: {  	[dreg:$0x5] =	wrdreg $0x81000  }
0xb8: {  	[dreg:$0x6] =	wrdreg $0x9  }
0xb9: {  	_ =	task.clear_ibuf [dreg:s8], $0x7FFFF;
	_ =	strace $0x90000046  }
0xba: {  	s29 =	simm.s32 $0x9;
	_ =	strace $0x80000048  }
0xbb: {  	_ =	swait.ge [sflag:s29], $0x1  }
0xbc: {  	[sflag:s29] =	ssyncadd.s32 $0xFFFFFFFF  }
0xbd: {  	_ =	strace $0x90000048  }
0xbe: {  	_ =	sfence  }
0xbf: {  	s30 =	sld [smem:$0x0];
	_ =	sdelay $0x2  }
0xc0: {  	s31 =	sshll.u32 s1, $0xD;
	s1 =	sshrl.u32 s1, $0x2  }
0xc1: {  	s3 =	sand.u32 $0x4000, s31;
	s1 =	sadd.s32 s1, s30  }
0xc2: {  	s0 =	sor.u32 s3, s0;
	s1 =	sshll.u32 s1, $0x11  }
0xc3: {  	s0 =	sor.u32 s1, s0  }
0xc4: {  	s0 =	sadd.s32 $0x8F2B, s0  }
0xc5: {  	[sflag:s0] =	ssyncadd.remote.s32 $0x1  }
0xc6: {  	_ =	sfence.sel $0xFFFF  }
0xc7: {  	[dreg:$0x0] =	wrdreg $0xFFFFFFFF;
	(pc) =	sbr.abs _section_cstart, $3  }
0xc8: {  	[dreg:$0x1] =	wrdreg $0xFFFFFFFF  }
0xc9: {  	_ =	task.clear_ibuf [dreg:s8], $0x2FFFF;
	_ =	strace $0x9FFFFFFF  }
0xca: {  	(tm) =	ssettm $0x7FFFFFFF  }
0xcb: {  	_ =	shalt  }
tec
execute0_lowered:
.L_overlay_start_1:
0x0: {  	(tag) =	ssettag $0x1  }
0x1: {  	s0 =	rddreg [dreg:$0x0]  }
0x2: {  	s4 =	rddreg [dreg:$0x1];
	s1 =	srdreg.scid  }
0x3: {  	s25 =	rddreg [dreg:$0x2];
	s6 =	stileid.u32;
	s26 =	sand.u32 $0x1, s1  }
0x4: {  	s2 =	rddreg [dreg:$0x3];
	s5 =	sshll.u32 s6, $0x9;
	s7 =	sshll.u32 s26, $0x8  }
0x5: {  	s3 =	simm.s32 $0x0;
	s1 =	rddreg [dreg:$0x4];
	s28 =	sor.u32 s7, s5  }
0x6: {  	[smem:$0x7FF] =	sst s3;
	s5 =	sshrl.u32 s28, $0x3  }
0x7: {  	_ =	strace $0x80000047;
	s5 =	sadd.s32 s4, s5;
	s4 =	simm.s32 $0x2  }
0x8: {  	[tilespmem:s3], [sflag:$0x2] =	stream.linear.gather [hbm4b:s5+s3], $0x100, $0x38;
	[tilespmem:$0x18100] =	vst v63  }
0x9: {  	p0 =	sne.s32 s6, $0x0;
	_ =	swait.ge [sflag:s4], $0x100  }
0xa: {  	s6 =	sshrl.u32 @!p0 s2, $0x3;
	[sflag:s4] =	ssyncset.done $0x0  }
0xb: {  	s8 =	simm.s32 @!p0 $0x2;
	s7 =	simm.s32 @!p0 $0x1C02;
	[sflag:s4] =	ssyncadd.s32 $0xFFFFFF00  }
0xc: {  	[spmem:s6], [sflag:s7] =	dma.local @!p0 [hbm:s0], $0x20000  }
0xd: {  	_ =	swait.ge @!p0 [sflag:s8], $0x20000  }
0xe: {  	[sflag:s8] =	ssyncset.done @!p0 $0x0  }
0xf: {  	[sflag:s8] =	ssyncadd.s32 @!p0 $0xFFFE0000  }
0x10: {  	s9 =	simm.s32 $0x20;
	s10 =	simm.s32 $0x100;
	[bflag:$0x0] =	sbarrier.arrive $0xFFFF  }
0x11: {  	[tilespmem:s10], [sflag:$0x1] =	stream.indirect.gather [spmem:s2], $0x80, s3, s9, $0xb8;
	[tilespmem:$0x18100] =	vst v63  }
0x12: {  	s11 =	simm.s32 $0x1100  }
0x13: {  	[tilespmem:s11], [sflag:$0x1] =	stream.indirect.gather [spmem:s2], $0x80, s9, s9, $0xb8;
	[tilespmem:$0x18100] =	vst v63  }
0x14: {  	s12 =	simm.s32 $0x40;
	s13 =	simm.s32 $0x2100  }
0x15: {  	[tilespmem:s13], [sflag:$0x1] =	stream.indirect.gather [spmem:s2], $0x80, s12, s9, $0xb8;
	[tilespmem:$0x18100] =	vst v63  }
0x16: {  	s14 =	simm.s32 $0x60;
	s15 =	simm.s32 $0x3100  }
0x17: {  	[tilespmem:s15], [sflag:$0x1] =	stream.indirect.gather [spmem:s2], $0x80, s14, s9, $0xb8;
	[tilespmem:$0x18100] =	vst v63  }
0x18: {  	s16 =	simm.s32 $0x80;
	s17 =	simm.s32 $0x4100  }
0x19: {  	[tilespmem:s17], [sflag:$0x1] =	stream.indirect.gather [spmem:s2], $0x80, s16, s9, $0xb8;
	[tilespmem:$0x18100] =	vst v63  }
0x1a: {  	s18 =	simm.s32 $0xA0;
	s19 =	simm.s32 $0x5100  }
0x1b: {  	[tilespmem:s19], [sflag:$0x1] =	stream.indirect.gather [spmem:s2], $0x80, s18, s9, $0xb8;
	[tilespmem:$0x18100] =	vst v63  }
0x1c: {  	s20 =	simm.s32 $0xC0;
	s21 =	simm.s32 $0x6100  }
0x1d: {  	[tilespmem:s21], [sflag:$0x1] =	stream.indirect.gather [spmem:s2], $0x80, s20, s9, $0xb8;
	[tilespmem:$0x18100] =	vst v63  }
0x1e: {  	s22 =	simm.s32 $0xE0;
	s23 =	simm.s32 $0x7100;
	s24 =	simm.s32 $0x1  }
0x1f: {  	[tilespmem:s23], [sflag:$0x1] =	stream.indirect.gather [spmem:s2], $0x80, s22, s9, $0xb8;
	[tilespmem:$0x18100] =	vst v63  }
0x20: {  	_ =	swait.ge [sflag:s24], $0x1000  }
0x21: {  	[sflag:s24] =	ssyncset.done $0x0  }
0x22: {  	[sflag:s24] =	ssyncadd.s32 $0xFFFFF000  }
0x23: {  	_ =	swait.ge [sflag:s24], $0x1000  }
0x24: {  	[sflag:s24] =	ssyncset.done $0x0  }
0x25: {  	[sflag:s24] =	ssyncadd.s32 $0xFFFFF000  }
0x26: {  	_ =	swait.ge [sflag:s24], $0x1000  }
0x27: {  	[sflag:s24] =	ssyncset.done $0x0  }
0x28: {  	[sflag:s24] =	ssyncadd.s32 $0xFFFFF000  }
0x29: {  	_ =	swait.ge [sflag:s24], $0x1000  }
0x2a: {  	[sflag:s24] =	ssyncset.done $0x0  }
0x2b: {  	[sflag:s24] =	ssyncadd.s32 $0xFFFFF000  }
0x2c: {  	_ =	swait.ge [sflag:s24], $0x1000  }
0x2d: {  	[sflag:s24] =	ssyncset.done $0x0  }
0x2e: {  	[sflag:s24] =	ssyncadd.s32 $0xFFFFF000  }
0x2f: {  	_ =	swait.ge [sflag:s24], $0x1000  }
0x30: {  	s26 =	ssub.s32 $0x2, s26;
	[sflag:s24] =	ssyncset.done $0x0  }
0x31: {  	s29 =	sshrl.u32 s26, $0x1;
	[sflag:s24] =	ssyncadd.s32 $0xFFFFF000  }
0x32: {  	s26 =	ssub.s32 s26, s29;
	_ =	swait.ge [sflag:s24], $0x1000  }
0x33: {  	s26 =	smax.u32 s26, $0x1;
	[sflag:s24] =	ssyncset.done $0x0  }
0x34: {  	s26 =	sadd.s32 $0xFFFFFFFF, s26;
	[sflag:s24] =	ssyncadd.s32 $0xFFFFF000  }
0x35: {  	s28 =	sshll.u32 s28, $0x4;
	p1 =	sne.s32 s26, $0x0;
	_ =	swait.ge [sflag:s24], $0x1000  }
.Ltmp0:
0x36: {  	s25 =	sadd.s32 s28, s25;
	[sflag:s24] =	ssyncset.done $0x0;
	(pc) =	sbr.rel @!p1 .LBB2_2-.Ltmp0, $4  }
0x37: {  	s25 =	sadd.s32 $0x1A00, s25;
	[sflag:s24] =	ssyncadd.s32 $0xFFFFF000  }
0x38: {  	[hbm4b:s25+s3] =	stream.linear.scatter [tilespmem:s10], [sflag:$0x2], $0x8000, $0x38;
	[tilespmem:$0x18100] =	vst v63  }
0x39: {  	_ =	swait.ge [sflag:s4], $0x8000  }
0x3a: {  	[sflag:s4] =	ssyncset.done $0x0  }
.LBB2_1:
0x3b: {  	s26 =	sadd.s32 $0xFFFFFFFF, s26;
	[sflag:s4] =	ssyncadd.s32 $0xFFFF8000  }
0x3c: {  	[tilespmem:s3], [sflag:$0x2] =	stream.linear.gather [hbm4b:s5+s3], $0x100, $0x38;
	[tilespmem:$0x18100] =	vst v63  }
0x3d: {  	p1 =	sne.s32 s26, $0x0;
	_ =	swait.ge [sflag:s4], $0x100  }
0x3e: {  	[sflag:s4] =	ssyncset.done $0x0  }
0x3f: {  	[sflag:s4] =	ssyncadd.s32 $0xFFFFFF00  }
0x40: {  	[spmem:s6], [sflag:s7] =	dma.local @!p0 [hbm:s0], $0x20000  }
0x41: {  	_ =	swait.ge @!p0 [sflag:s8], $0x20000  }
0x42: {  	[sflag:s8] =	ssyncset.done @!p0 $0x0  }
0x43: {  	[sflag:s8] =	ssyncadd.s32 @!p0 $0xFFFE0000  }
0x44: {  	[bflag:$0x0] =	sbarrier.arrive $0xFFFF  }
0x45: {  	[tilespmem:s10], [sflag:$0x1] =	stream.indirect.gather [spmem:s2], $0x80, s3, s9, $0xb8;
	[tilespmem:$0x18100] =	vst v63  }
0x46: {  	_ = 	snop  }
0x47: {  	[tilespmem:s11], [sflag:$0x1] =	stream.indirect.gather [spmem:s2], $0x80, s9, s9, $0xb8;
	[tilespmem:$0x18100] =	vst v63  }
0x48: {  	_ = 	snop  }
0x49: {  	[tilespmem:s13], [sflag:$0x1] =	stream.indirect.gather [spmem:s2], $0x80, s12, s9, $0xb8;
	[tilespmem:$0x18100] =	vst v63  }
0x4a: {  	_ = 	snop  }
0x4b: {  	[tilespmem:s15], [sflag:$0x1] =	stream.indirect.gather [spmem:s2], $0x80, s14, s9, $0xb8;
	[tilespmem:$0x18100] =	vst v63  }
0x4c: {  	_ = 	snop  }
0x4d: {  	[tilespmem:s17], [sflag:$0x1] =	stream.indirect.gather [spmem:s2], $0x80, s16, s9, $0xb8;
	[tilespmem:$0x18100] =	vst v63  }
0x4e: {  	_ = 	snop  }
0x4f: {  	[tilespmem:s19], [sflag:$0x1] =	stream.indirect.gather [spmem:s2], $0x80, s18, s9, $0xb8;
	[tilespmem:$0x18100] =	vst v63  }
0x50: {  	_ = 	snop  }
0x51: {  	[tilespmem:s21], [sflag:$0x1] =	stream.indirect.gather [spmem:s2], $0x80, s20, s9, $0xb8;
	[tilespmem:$0x18100] =	vst v63  }
0x52: {  	_ = 	snop  }
0x53: {  	[tilespmem:s23], [sflag:$0x1] =	stream.indirect.gather [spmem:s2], $0x80, s22, s9, $0xb8;
	[tilespmem:$0x18100] =	vst v63  }
0x54: {  	_ =	swait.ge [sflag:s24], $0x1000  }
0x55: {  	[sflag:s24] =	ssyncset.done $0x0  }
0x56: {  	[sflag:s24] =	ssyncadd.s32 $0xFFFFF000  }
0x57: {  	_ =	swait.ge [sflag:s24], $0x1000  }
0x58: {  	[sflag:s24] =	ssyncset.done $0x0  }
0x59: {  	[sflag:s24] =	ssyncadd.s32 $0xFFFFF000  }
0x5a: {  	_ =	swait.ge [sflag:s24], $0x1000  }
0x5b: {  	[sflag:s24] =	ssyncset.done $0x0  }
0x5c: {  	[sflag:s24] =	ssyncadd.s32 $0xFFFFF000  }
0x5d: {  	_ =	swait.ge [sflag:s24], $0x1000  }
0x5e: {  	[sflag:s24] =	ssyncset.done $0x0  }
0x5f: {  	[sflag:s24] =	ssyncadd.s32 $0xFFFFF000  }
0x60: {  	_ =	swait.ge [sflag:s24], $0x1000  }
0x61: {  	[sflag:s24] =	ssyncset.done $0x0  }
0x62: {  	[sflag:s24] =	ssyncadd.s32 $0xFFFFF000  }
0x63: {  	_ =	swait.ge [sflag:s24], $0x1000  }
0x64: {  	[sflag:s24] =	ssyncset.done $0x0  }
0x65: {  	[sflag:s24] =	ssyncadd.s32 $0xFFFFF000  }
0x66: {  	_ =	swait.ge [sflag:s24], $0x1000  }
0x67: {  	[sflag:s24] =	ssyncset.done $0x0  }
0x68: {  	[sflag:s24] =	ssyncadd.s32 $0xFFFFF000  }
0x69: {  	_ =	swait.ge [sflag:s24], $0x1000  }
.Ltmp1:
0x6a: {  	[sflag:s24] =	ssyncset.done $0x0;
	(pc) =	sbr.rel @p1 .LBB2_1-.Ltmp1, $4  }
0x6b: {  	[sflag:s24] =	ssyncadd.s32 $0xFFFFF000  }
0x6c: {  	[hbm4b:s25+s3] =	stream.linear.scatter [tilespmem:s10], [sflag:$0x2], $0x8000, $0x38;
	[tilespmem:$0x18100] =	vst v63  }
0x6d: {  	_ =	swait.ge [sflag:s4], $0x8000  }
0x6e: {  	[sflag:s4] =	ssyncset.done $0x0  }
.LBB2_2:
0x6f: {  	[sflag:s4] =	ssyncadd.s32 $0xFFFF8000  }
0x70: {  	_ =	sfence.sel $0x180000  }
0x71: {  	[bflag:$0x0] =	sbarrier.arrive $0xFFFF  }
0x72: {  	_ =	strace $0x90000047  }
0x73: {  	s0 =	sadd.s32 @!p0 $0x100000, s1;
	[bflag:$0x2] =	sbarrier.arrive $0xFFFF  }
0x74: {  	[sflag:s0] =	ssyncadd.tile.s32 @!p0 $0x1;
	_ =	shalt  }
.Lfunc_end2:
_tile_overlayer_lowered:
.L_overlay_start_2:
0x75: {  	(tag) =	ssettag $0x2  }
0x76: {  	s0 =	rddreg [dreg:$0x0];
	s2 =	stileid.u32  }
0x77: {  	s1 =	rddreg [dreg:$0x1];
	p0 =	sne.s32 s2, $0x0  }
0x78: {  	s3 =	rddreg [dreg:$0x2];
	[bflag:$0x3] =	sbarrier.arrive $0xFFFF;
	s2 =	simm.s32 @!p0 $0x1C02  }
0x79: {  	[timem:s3], [sflag:s2] =	dma.local @!p0 [hbm:s0], s1  }
0x7a: {  	s0 =	simm.s32 @!p0 $0x2  }
0x7b: {  	_ =	swait.ge @!p0 [sflag:s0], s1  }
0x7c: {  	s1 =	ssub.s32 @!p0 $0x0, s1;
	[sflag:s0] =	ssyncset.done @!p0 $0x0  }
0x7d: {  	[sflag:s0] =	ssyncadd.s32 @!p0 s1  }
0x7e: {  	[bflag:$0x3] =	sbarrier.arrive $0xFFFF  }
0x7f: {  	_ =	shalt  }

</sc_bundles>
